<compile_context>
chip_gen: v7x
topology: tpu7x:2x2x1
jax: 0.10.2.dev20260603
libtpu: 0.0.44.dev20260713+nightly
codegen_flags: <defaults>
</compile_context>

<pallas_src>
import functools

import jax
import jax.numpy as jnp
from jax import lax
from jax.experimental import pallas as pl
from jax.experimental.pallas import tpu as pltpu
from jax.experimental.pallas import tpu_sc as plsc

_L = 16


def _tc_kernel(p1_ref, p2_ref, row_acc, col_acc, *, ti, tj, ni, nj):
    i = pl.program_id(0)
    j = pl.program_id(1)

    p1 = p1_ref[...]
    p2 = p2_ref[...]

    acc = jnp.zeros((ti, tj), jnp.float32)
    for d in range(3):
        diff = p1[:, d][:, None] - p2[d, :][None, :]
        acc = acc + diff * diff

    row_m = jnp.min(acc, axis=1)[:, None]
    col_m = jnp.min(acc, axis=0)[None, :]

    @pl.when((i == 0) & (j == 0))
    def _():
        row_acc[...] = jnp.full(row_acc.shape, jnp.inf, jnp.float32)
        col_acc[...] = jnp.full(col_acc.shape, jnp.inf, jnp.float32)

    row_acc[pl.ds(i * ti, ti), :] = jnp.minimum(
        row_acc[pl.ds(i * ti, ti), :], row_m)
    col_acc[:, pl.ds(j * tj, tj)] = jnp.minimum(
        col_acc[:, pl.ds(j * tj, tj)], col_m)


def _sc_kernel(q_hbm, x2_hbm, y2_hbm, z2_hbm, rowm_hbm, colp_hbm,
               q_v, x2_v, y2_v, z2_v, colp_v, rowm_v, *,
               rows_per_w, msc, nc):
    wid = lax.axis_index("s") * nc + lax.axis_index("c")
    base = wid * rows_per_w

    pltpu.sync_copy(q_hbm.at[pl.ds(base, rows_per_w), :], q_v)
    pltpu.sync_copy(x2_hbm, x2_v)
    pltpu.sync_copy(y2_hbm, y2_v)
    pltpu.sync_copy(z2_hbm, z2_v)

    nchunk = msc // _L
    inf16 = jnp.full((_L,), jnp.inf, jnp.float32)

    def init_body(c, carry):
        colp_v[pl.ds(c * _L, _L)] = inf16
        return carry
    lax.fori_loop(0, nchunk, init_body, 0)

    def query_body(q, carry):
        xq = q_v[q, 0:_L]
        yq = q_v[q, _L:2 * _L]
        zq = q_v[q, 2 * _L:3 * _L]

        def chunk_body(c, best):
            s = c * _L
            dx = xq - x2_v[pl.ds(s, _L)]
            dy = yq - y2_v[pl.ds(s, _L)]
            dz = zq - z2_v[pl.ds(s, _L)]
            d2 = dx * dx + dy * dy + dz * dz
            colp_v[pl.ds(s, _L)] = jnp.minimum(colp_v[pl.ds(s, _L)], d2)
            return jnp.minimum(best, d2)

        best = lax.fori_loop(0, nchunk, chunk_body, inf16)
        rowm_v[q, :] = best
        return carry

    lax.fori_loop(0, rows_per_w, query_body, 0)

    pltpu.sync_copy(rowm_v, rowm_hbm.at[pl.ds(base, rows_per_w), :])
    pltpu.sync_copy(colp_v, colp_hbm.at[wid])


def _combine_kernel(rowtc_ref, coltc_ref, rowsc_ref, colsc_ref, out_ref, *,
                    n1, n2, npad1, mtc, msc):
    rm = jnp.minimum(rowtc_ref[...],
                     jnp.min(rowsc_ref[...], axis=1)[:, None])
    rvalid = jax.lax.broadcasted_iota(jnp.int32, (npad1, 1), 0) < n1
    s1 = jnp.sum(jnp.where(rvalid, jnp.sqrt(rm), 0.0))
    s2a = jnp.sum(jnp.sqrt(coltc_ref[...]))
    cm = jnp.min(colsc_ref[...], axis=0)[None, :]
    cvalid = jax.lax.broadcasted_iota(jnp.int32, (1, msc), 1) < (n2 - mtc)
    s2b = jnp.sum(jnp.where(cvalid, jnp.sqrt(cm), 0.0))
    out_ref[...] = (s1 + s2a + s2b)[None, None]


def kernel(points1, points2):
    n1 = points1.shape[0]
    n2 = points2.shape[0]
    p1 = points1.astype(jnp.float32)
    p2 = points2.astype(jnp.float32)

    info = plsc.get_sparse_core_info()
    nc, ns = info.num_cores, info.num_subcores
    nw = nc * ns

    ti = 2560
    tj = 2048
    npad1 = ((n1 + (nw * _L) - 1) // (nw * _L)) * (nw * _L)
    rows_per_w = npad1 // nw
    ni = npad1 // ti
    assert npad1 % ti == 0

    mtc = (n2 // tj) * tj
    if mtc >= n2:
        mtc -= tj
    nj = mtc // tj
    nsc = n2 - mtc
    msc = ((nsc + _L - 1) // _L) * _L

    p1p = jnp.zeros((npad1, 8), jnp.float32)
    p1p = p1p.at[:n1, :3].set(p1)
    p1p = p1p.at[n1:, :3].set(jnp.inf)
    p2p = jnp.zeros((8, mtc), jnp.float32)
    p2p = p2p.at[:3, :].set(p2[:mtc, :].T)

    q = jnp.full((npad1, 3), jnp.inf, jnp.float32).at[:n1, :].set(p1)
    qrep = jnp.repeat(q, _L, axis=1)

    def sc_coord(col):
        return jnp.full((msc,), jnp.inf,
                        jnp.float32).at[:nsc].set(p2[mtc:, col])

    x2 = sc_coord(0)
    y2 = sc_coord(1)
    z2 = sc_coord(2)

    row_tc, col_tc = pl.pallas_call(
        functools.partial(_tc_kernel, ti=ti, tj=tj, ni=ni, nj=nj),
        grid=(ni, nj),
        in_specs=[
            pl.BlockSpec((ti, 8), lambda i, j: (i, 0)),
            pl.BlockSpec((8, tj), lambda i, j: (0, j)),
        ],
        out_specs=[
            pl.BlockSpec((npad1, 1), lambda i, j: (0, 0)),
            pl.BlockSpec((1, mtc), lambda i, j: (0, 0)),
        ],
        out_shape=[
            jax.ShapeDtypeStruct((npad1, 1), jnp.float32),
            jax.ShapeDtypeStruct((1, mtc), jnp.float32),
        ],
        compiler_params=pltpu.CompilerParams(
            dimension_semantics=("arbitrary", "arbitrary"),
        ),
    )(p1p, p2p)

    mesh = plsc.VectorSubcoreMesh(core_axis_name="c", subcore_axis_name="s")
    sc = functools.partial(
        pl.kernel,
        mesh=mesh,
        out_type=[
            jax.ShapeDtypeStruct((npad1, _L), jnp.float32),
            jax.ShapeDtypeStruct((nw, msc), jnp.float32),
        ],
        scratch_types=[
            pltpu.VMEM((rows_per_w, 3 * _L), jnp.float32),
            pltpu.VMEM((msc,), jnp.float32),
            pltpu.VMEM((msc,), jnp.float32),
            pltpu.VMEM((msc,), jnp.float32),
            pltpu.VMEM((msc,), jnp.float32),
            pltpu.VMEM((rows_per_w, _L), jnp.float32),
        ],
    )(functools.partial(_sc_kernel, rows_per_w=rows_per_w, msc=msc, nc=nc))
    row_sc, col_sc = sc(qrep, x2, y2, z2)

    out = pl.pallas_call(
        functools.partial(_combine_kernel, n1=n1, n2=n2,
                          npad1=npad1, mtc=mtc, msc=msc),
        in_specs=[
            pl.BlockSpec((npad1, 1), lambda: (0, 0)),
            pl.BlockSpec((1, mtc), lambda: (0, 0)),
            pl.BlockSpec((npad1, _L), lambda: (0, 0)),
            pl.BlockSpec((nw, msc), lambda: (0, 0)),
        ],
        out_specs=pl.BlockSpec((1, 1), lambda: (0, 0)),
        out_shape=jax.ShapeDtypeStruct((1, 1), jnp.float32),
    )(row_tc, col_tc, row_sc, col_sc)
    return out[0, 0]

# --- scband reference (transcript-rebuilt; emitter-appended) ---
"""Pipeline reference for scband-chamfer-distance-py-41540923687002 (READ-ONLY COPY).

The authoritative reference and input builder live on the scoring server;
editing this copy changes nothing except your own understanding.
"""

import jax, jax.numpy as jnp
import numpy as np


def setup_inputs(seed: int = 0) -> dict:
    key = jax.random.key(seed)
    k1, k2 = jax.random.split(key)
    points1 = jax.random.normal(k1, (10000, 3), dtype=jnp.float32)
    points2 = jax.random.normal(k2, (10000, 3), dtype=jnp.float32)
    return {"points1": points1, "points2": points2}


def reference(points1, points2):
    # torch.cdist(points1, points2, p=2): full pairwise Euclidean distance matrix (N, M)
    diff = points1[:, None, :] - points2[None, :, :]
    dist_matrix = jnp.sqrt(jnp.sum(diff * diff, axis=-1))
    # Chamfer distance: sum of per-row mins + sum of per-column mins
    return jnp.sum(jnp.min(dist_matrix, axis=1)) + jnp.sum(jnp.min(dist_matrix, axis=0))

if __name__ == "__main__":
    import jax
    _d = setup_inputs()
    print(jax.jit(kernel)(*tuple(_d.values())))

</pallas_src>

<mosaic_0001>
#map = affine_map<(d0, d1) -> (0, 0)>
#map1 = affine_map<(d0, d1) -> (0)>
module attributes {stable_mosaic.version = 14 : i64} {
  func.func @_sc_kernel(%arg0: i32, %arg1: i32, %arg2: memref<10240x48xf32, #tpu.memory_space<hbm>>, %arg3: memref<1808xf32, #tpu.memory_space<hbm>>, %arg4: memref<1808xf32, #tpu.memory_space<hbm>>, %arg5: memref<1808xf32, #tpu.memory_space<hbm>>, %arg6: memref<10240x16xf32, #tpu.memory_space<hbm>>, %arg7: memref<32x1808xf32, #tpu.memory_space<hbm>>, %arg8: memref<320x48xf32, #tpu.memory_space<vmem>>, %arg9: memref<1808xf32, #tpu.memory_space<vmem>>, %arg10: memref<1808xf32, #tpu.memory_space<vmem>>, %arg11: memref<1808xf32, #tpu.memory_space<vmem>>, %arg12: memref<1808xf32, #tpu.memory_space<vmem>>, %arg13: memref<320x16xf32, #tpu.memory_space<vmem>>) attributes {dimension_semantics = [#tpu.dimension_semantics<core_parallel>, #tpu.dimension_semantics<subcore_parallel>], iteration_bounds = array<i64: 2, 16>, scalar_prefetch = 0 : i64, scratch_operands = 6 : i64, tpu.core_type = #tpu.core_type<sc_vector_subcore>, window_params = [{transform_indices = #map}, {transform_indices = #map1}, {transform_indices = #map1}, {transform_indices = #map1}, {transform_indices = #map}, {transform_indices = #map}]} {
    %mul3A = arith.constant 2 : i32
    %mul3A_0 = arith.muli %arg1, %mul3A : i32
    %add3A = arith.addi %mul3A_0, %arg0 : i32
    %mul3A_1 = arith.constant 320 : i32
    %mul3A_2 = arith.muli %add3A, %mul3A_1 : i32
    "tpu.region"() ({
      %run_scoped3A = tpu.sem_alloc : memref<!tpu.dma_semaphore, #tpu.memory_space<semaphore_mem>>
      %dma_start3A = arith.constant 0 : i32
      %dma_start3A_15 = tpu.memref_slice %arg2[%mul3A_2, %dma_start3A] : memref<10240x48xf32, #tpu.memory_space<hbm>> -> memref<320x48xf32, #tpu.memory_space<hbm>>
      %dma_start3A_16 = arith.constant 0 : i32
      %dma_start3A_17 = tpu.memref_slice %arg2[%mul3A_2, %dma_start3A_16] : memref<10240x48xf32, #tpu.memory_space<hbm>> -> memref<320x48xf32, #tpu.memory_space<hbm>>
      tpu.enqueue_dma source(%dma_start3A_17 : memref<320x48xf32, #tpu.memory_space<hbm>>) target(%arg8 : memref<320x48xf32, #tpu.memory_space<vmem>>) target_semaphore(%run_scoped3A : memref<!tpu.dma_semaphore, #tpu.memory_space<semaphore_mem>>)
      %dma_wait3A = arith.constant 0 : i32
      %dma_wait3A_18 = tpu.memref_slice %arg2[%mul3A_2, %dma_wait3A] : memref<10240x48xf32, #tpu.memory_space<hbm>> -> memref<320x48xf32, #tpu.memory_space<hbm>>
      %dma_wait3A_19 = arith.constant 0 : i32
      %dma_wait3A_20 = tpu.memref_slice %arg2[%mul3A_2, %dma_wait3A_19] : memref<10240x48xf32, #tpu.memory_space<hbm>> -> memref<320x48xf32, #tpu.memory_space<hbm>>
      tpu.wait_dma2 semaphore(%run_scoped3A : memref<!tpu.dma_semaphore, #tpu.memory_space<semaphore_mem>>) src(%dma_wait3A_20 : memref<320x48xf32, #tpu.memory_space<hbm>>) dst(%arg8 : memref<320x48xf32, #tpu.memory_space<vmem>>)
      tpu.yield
    }) : () -> ()
    "tpu.region"() ({
      %run_scoped3A = tpu.sem_alloc : memref<!tpu.dma_semaphore, #tpu.memory_space<semaphore_mem>>
      tpu.enqueue_dma source(%arg3 : memref<1808xf32, #tpu.memory_space<hbm>>) target(%arg9 : memref<1808xf32, #tpu.memory_space<vmem>>) target_semaphore(%run_scoped3A : memref<!tpu.dma_semaphore, #tpu.memory_space<semaphore_mem>>)
      tpu.wait_dma2 semaphore(%run_scoped3A : memref<!tpu.dma_semaphore, #tpu.memory_space<semaphore_mem>>) src(%arg3 : memref<1808xf32, #tpu.memory_space<hbm>>) dst(%arg9 : memref<1808xf32, #tpu.memory_space<vmem>>)
      tpu.yield
    }) : () -> ()
    "tpu.region"() ({
      %run_scoped3A = tpu.sem_alloc : memref<!tpu.dma_semaphore, #tpu.memory_space<semaphore_mem>>
      tpu.enqueue_dma source(%arg4 : memref<1808xf32, #tpu.memory_space<hbm>>) target(%arg10 : memref<1808xf32, #tpu.memory_space<vmem>>) target_semaphore(%run_scoped3A : memref<!tpu.dma_semaphore, #tpu.memory_space<semaphore_mem>>)
      tpu.wait_dma2 semaphore(%run_scoped3A : memref<!tpu.dma_semaphore, #tpu.memory_space<semaphore_mem>>) src(%arg4 : memref<1808xf32, #tpu.memory_space<hbm>>) dst(%arg10 : memref<1808xf32, #tpu.memory_space<vmem>>)
      tpu.yield
    }) : () -> ()
    "tpu.region"() ({
      %run_scoped3A = tpu.sem_alloc : memref<!tpu.dma_semaphore, #tpu.memory_space<semaphore_mem>>
      tpu.enqueue_dma source(%arg5 : memref<1808xf32, #tpu.memory_space<hbm>>) target(%arg11 : memref<1808xf32, #tpu.memory_space<vmem>>) target_semaphore(%run_scoped3A : memref<!tpu.dma_semaphore, #tpu.memory_space<semaphore_mem>>)
      tpu.wait_dma2 semaphore(%run_scoped3A : memref<!tpu.dma_semaphore, #tpu.memory_space<semaphore_mem>>) src(%arg5 : memref<1808xf32, #tpu.memory_space<hbm>>) dst(%arg11 : memref<1808xf32, #tpu.memory_space<vmem>>)
      tpu.yield
    }) : () -> ()
    %broadcast_in_dim3A = arith.constant 0x7F800000 : f32
    %broadcast_in_dim3A_3 = vector.broadcast %broadcast_in_dim3A : f32 to vector<16xf32>
    %scan3A = arith.constant 0 : i32
    %scan3A_4 = arith.constant 0 : i32
    %scan3A_5 = arith.constant 113 : i32
    %scan3A_6 = arith.addi %scan3A_4, %scan3A_5 : i32
    %scan3A_7 = arith.constant 1 : i32
    scf.for %scan3A_15 = %scan3A_4 to %scan3A_6 step %scan3A_7  : i32 {
      %mul3A_16 = arith.constant 16 : i32
      %mul3A_17 = arith.muli %scan3A_15, %mul3A_16 : i32
      %swap3A = arith.index_cast %mul3A_17 : i32 to index
      %swap3A_18 = tpu.vector_load %arg12[%swap3A] {strides = array<i32>} : memref<1808xf32, #tpu.memory_space<vmem>>, vector<16xf32>,
      %swap3A_19 = vector.shape_cast %swap3A_18 : vector<16xf32> to vector<16xf32>
      %swap3A_20 = vector.shape_cast %broadcast_in_dim3A_3 : vector<16xf32> to vector<16xf32>
      tpu.vector_store %arg12[%swap3A], %swap3A_20 {strides = array<i32>} : memref<1808xf32, #tpu.memory_space<vmem>>, vector<16xf32>,
    }
    %scan3A_8 = arith.constant 113 : i32
    %scan3A_9 = arith.constant 0 : i32
    %scan3A_10 = arith.constant 0 : i32
    %scan3A_11 = arith.constant 320 : i32
    %scan3A_12 = arith.addi %scan3A_10, %scan3A_11 : i32
    %scan3A_13 = arith.constant 1 : i32
    scf.for %scan3A_15 = %scan3A_10 to %scan3A_12 step %scan3A_13  : i32 {
      %get3A = arith.index_cast %scan3A_15 : i32 to index
      %get3A_16 = arith.constant 0 : index
      %get3A_17 = tpu.vector_load %arg8[%get3A, %get3A_16] {strides = array<i32>} : memref<320x48xf32, #tpu.memory_space<vmem>>, vector<1x16xf32>,
      %get3A_18 = vector.shape_cast %get3A_17 : vector<1x16xf32> to vector<16xf32>
      %get3A_19 = arith.index_cast %scan3A_15 : i32 to index
      %get3A_20 = arith.constant 16 : index
      %get3A_21 = tpu.vector_load %arg8[%get3A_19, %get3A_20] {strides = array<i32>} : memref<320x48xf32, #tpu.memory_space<vmem>>, vector<1x16xf32>,
      %get3A_22 = vector.shape_cast %get3A_21 : vector<1x16xf32> to vector<16xf32>
      %get3A_23 = arith.index_cast %scan3A_15 : i32 to index
      %get3A_24 = arith.constant 32 : index
      %get3A_25 = tpu.vector_load %arg8[%get3A_23, %get3A_24] {strides = array<i32>} : memref<320x48xf32, #tpu.memory_space<vmem>>, vector<1x16xf32>,
      %get3A_26 = vector.shape_cast %get3A_25 : vector<1x16xf32> to vector<16xf32>
      %scan3A_27 = arith.constant 0 : i32
      %scan3A_28 = arith.constant 113 : i32
      %scan3A_29 = arith.addi %scan3A_27, %scan3A_28 : i32
      %scan3A_30 = arith.constant 1 : i32
      %scan3A_31 = scf.for %scan3A_37 = %scan3A_27 to %scan3A_29 step %scan3A_30 iter_args(%scan3A_38 = %broadcast_in_dim3A_3) -> (vector<16xf32>)  : i32 {
        %mul3A_39 = arith.constant 16 : i32
        %mul3A_40 = arith.muli %scan3A_37, %mul3A_39 : i32
        %get3A_41 = arith.index_cast %mul3A_40 : i32 to index
        %get3A_42 = tpu.vector_load %arg9[%get3A_41] {strides = array<i32>} : memref<1808xf32, #tpu.memory_space<vmem>>, vector<16xf32>,
        %get3A_43 = vector.shape_cast %get3A_42 : vector<16xf32> to vector<16xf32>
        %sub3A = arith.subf %get3A_18, %get3A_43 : vector<16xf32>
        %get3A_44 = arith.index_cast %mul3A_40 : i32 to index
        %get3A_45 = tpu.vector_load %arg10[%get3A_44] {strides = array<i32>} : memref<1808xf32, #tpu.memory_space<vmem>>, vector<16xf32>,
        %get3A_46 = vector.shape_cast %get3A_45 : vector<16xf32> to vector<16xf32>
        %sub3A_47 = arith.subf %get3A_22, %get3A_46 : vector<16xf32>
        %get3A_48 = arith.index_cast %mul3A_40 : i32 to index
        %get3A_49 = tpu.vector_load %arg11[%get3A_48] {strides = array<i32>} : memref<1808xf32, #tpu.memory_space<vmem>>, vector<16xf32>,
        %get3A_50 = vector.shape_cast %get3A_49 : vector<16xf32> to vector<16xf32>
        %sub3A_51 = arith.subf %get3A_26, %get3A_50 : vector<16xf32>
        %mul3A_52 = arith.mulf %sub3A, %sub3A : vector<16xf32>
        %mul3A_53 = arith.mulf %sub3A_47, %sub3A_47 : vector<16xf32>
        %add3A_54 = arith.addf %mul3A_52, %mul3A_53 : vector<16xf32>
        %mul3A_55 = arith.mulf %sub3A_51, %sub3A_51 : vector<16xf32>
        %add3A_56 = arith.addf %add3A_54, %mul3A_55 : vector<16xf32>
        %get3A_57 = arith.index_cast %mul3A_40 : i32 to index
        %get3A_58 = tpu.vector_load %arg12[%get3A_57] {strides = array<i32>} : memref<1808xf32, #tpu.memory_space<vmem>>, vector<16xf32>,
        %get3A_59 = vector.shape_cast %get3A_58 : vector<16xf32> to vector<16xf32>
        %min3A = arith.minimumf %get3A_59, %add3A_56 : vector<16xf32>
        %swap3A_60 = arith.index_cast %mul3A_40 : i32 to index
        %swap3A_61 = tpu.vector_load %arg12[%swap3A_60] {strides = array<i32>} : memref<1808xf32, #tpu.memory_space<vmem>>, vector<16xf32>,
        %swap3A_62 = vector.shape_cast %swap3A_61 : vector<16xf32> to vector<16xf32>
        %swap3A_63 = vector.shape_cast %min3A : vector<16xf32> to vector<16xf32>
        tpu.vector_store %arg12[%swap3A_60], %swap3A_63 {strides = array<i32>} : memref<1808xf32, #tpu.memory_space<vmem>>, vector<16xf32>,
        %min3A_64 = arith.minimumf %scan3A_38, %add3A_56 : vector<16xf32>
        scf.yield %min3A_64 : vector<16xf32>
      }
      %scan3A_32 = arith.constant 113 : i32
      %swap3A = arith.index_cast %scan3A_15 : i32 to index
      %swap3A_33 = arith.constant 0 : index
      %swap3A_34 = tpu.vector_load %arg13[%swap3A, %swap3A_33] {strides = array<i32>} : memref<320x16xf32, #tpu.memory_space<vmem>>, vector<1x16xf32>,
      %swap3A_35 = vector.shape_cast %swap3A_34 : vector<1x16xf32> to vector<16xf32>
      %swap3A_36 = vector.shape_cast %scan3A_31 : vector<16xf32> to vector<1x16xf32>
      tpu.vector_store %arg13[%swap3A, %swap3A_33], %swap3A_36 {strides = array<i32>} : memref<320x16xf32, #tpu.memory_space<vmem>>, vector<1x16xf32>,
    }
    %scan3A_14 = arith.constant 320 : i32
    "tpu.region"() ({
      %run_scoped3A = tpu.sem_alloc : memref<!tpu.dma_semaphore, #tpu.memory_space<semaphore_mem>>
      %dma_start3A = arith.constant 0 : i32
      %dma_start3A_15 = tpu.memref_slice %arg6[%mul3A_2, %dma_start3A] : memref<10240x16xf32, #tpu.memory_space<hbm>> -> memref<320x16xf32, #tpu.memory_space<hbm>>
      %dma_start3A_16 = arith.constant 0 : i32
      %dma_start3A_17 = tpu.memref_slice %arg6[%mul3A_2, %dma_start3A_16] : memref<10240x16xf32, #tpu.memory_space<hbm>> -> memref<320x16xf32, #tpu.memory_space<hbm>>
      tpu.enqueue_dma source(%arg13 : memref<320x16xf32, #tpu.memory_space<vmem>>) target(%dma_start3A_17 : memref<320x16xf32, #tpu.memory_space<hbm>>) target_semaphore(%run_scoped3A : memref<!tpu.dma_semaphore, #tpu.memory_space<semaphore_mem>>)
      %dma_wait3A = arith.constant 0 : i32
      %dma_wait3A_18 = tpu.memref_slice %arg6[%mul3A_2, %dma_wait3A] : memref<10240x16xf32, #tpu.memory_space<hbm>> -> memref<320x16xf32, #tpu.memory_space<hbm>>
      %dma_wait3A_19 = arith.constant 0 : i32
      %dma_wait3A_20 = tpu.memref_slice %arg6[%mul3A_2, %dma_wait3A_19] : memref<10240x16xf32, #tpu.memory_space<hbm>> -> memref<320x16xf32, #tpu.memory_space<hbm>>
      tpu.wait_dma2 semaphore(%run_scoped3A : memref<!tpu.dma_semaphore, #tpu.memory_space<semaphore_mem>>) src(%arg13 : memref<320x16xf32, #tpu.memory_space<vmem>>) dst(%dma_wait3A_20 : memref<320x16xf32, #tpu.memory_space<hbm>>)
      tpu.yield
    }) : () -> ()
    "tpu.region"() ({
      %run_scoped3A = tpu.sem_alloc : memref<!tpu.dma_semaphore, #tpu.memory_space<semaphore_mem>>
      %dma_start3A = arith.constant 0 : i32
      %dma_start3A_15 = tpu.memref_slice %arg7[%add3A, %dma_start3A] : memref<32x1808xf32, #tpu.memory_space<hbm>> -> memref<1x1808xf32, #tpu.memory_space<hbm>>
      %dma_start3A_16 = tpu.memref_squeeze %dma_start3A_15 : memref<1x1808xf32, #tpu.memory_space<hbm>> -> memref<1808xf32, #tpu.memory_space<hbm>>
      %dma_start3A_17 = arith.constant 0 : i32
      %dma_start3A_18 = tpu.memref_slice %arg7[%add3A, %dma_start3A_17] : memref<32x1808xf32, #tpu.memory_space<hbm>> -> memref<1x1808xf32, #tpu.memory_space<hbm>>
      %dma_start3A_19 = tpu.memref_squeeze %dma_start3A_18 : memref<1x1808xf32, #tpu.memory_space<hbm>> -> memref<1808xf32, #tpu.memory_space<hbm>>
      tpu.enqueue_dma source(%arg12 : memref<1808xf32, #tpu.memory_space<vmem>>) target(%dma_start3A_19 : memref<1808xf32, #tpu.memory_space<hbm>>) target_semaphore(%run_scoped3A : memref<!tpu.dma_semaphore, #tpu.memory_space<semaphore_mem>>)
      %dma_wait3A = arith.constant 0 : i32
      %dma_wait3A_20 = tpu.memref_slice %arg7[%add3A, %dma_wait3A] : memref<32x1808xf32, #tpu.memory_space<hbm>> -> memref<1x1808xf32, #tpu.memory_space<hbm>>
      %dma_wait3A_21 = tpu.memref_squeeze %dma_wait3A_20 : memref<1x1808xf32, #tpu.memory_space<hbm>> -> memref<1808xf32, #tpu.memory_space<hbm>>
      %dma_wait3A_22 = arith.constant 0 : i32
      %dma_wait3A_23 = tpu.memref_slice %arg7[%add3A, %dma_wait3A_22] : memref<32x1808xf32, #tpu.memory_space<hbm>> -> memref<1x1808xf32, #tpu.memory_space<hbm>>
      %dma_wait3A_24 = tpu.memref_squeeze %dma_wait3A_23 : memref<1x1808xf32, #tpu.memory_space<hbm>> -> memref<1808xf32, #tpu.memory_space<hbm>>
      tpu.wait_dma2 semaphore(%run_scoped3A : memref<!tpu.dma_semaphore, #tpu.memory_space<semaphore_mem>>) src(%arg12 : memref<1808xf32, #tpu.memory_space<vmem>>) dst(%dma_wait3A_24 : memref<1808xf32, #tpu.memory_space<hbm>>)
      tpu.yield
    }) : () -> ()
    return
  }
}

module attributes {stable_mosaic.version = 14 : i64} {
  func.func @_tc_kernel(%arg0: i32, %arg1: i32, %arg2: memref<2560x8xf32, #tpu.memory_space<vmem>>, %arg3: memref<8x2048xf32, #tpu.memory_space<vmem>>, %arg4: memref<10240x1xf32, #tpu.memory_space<vmem>>, %arg5: memref<1x8192xf32, #tpu.memory_space<vmem>>) attributes {dimension_semantics = [#tpu.dimension_semantics<arbitrary>, #tpu.dimension_semantics<arbitrary>], iteration_bounds = array<i64: 4, 4>, scalar_prefetch = 0 : i64, scratch_operands = 0 : i64, tpu.core_type = #tpu.core_type<tc>, window_params = [{transform_indices = @transform_0, window_bounds = array<i64: 2560, 8>}, {transform_indices = @transform_1, window_bounds = array<i64: 8, 2048>}, {pipeline_mode = #tpu.pipeline_mode<synchronous>, transform_indices = @transform_2, window_bounds = array<i64: 10240, 1>}, {pipeline_mode = #tpu.pipeline_mode<synchronous>, transform_indices = @transform_3, window_bounds = array<i64: 1, 8192>}]} {
    %get3A = arith.constant 0 : index
    %get3A_0 = arith.constant 0 : index
    %get3A_1 = vector.load %arg2[%get3A, %get3A_0] : memref<2560x8xf32, #tpu.memory_space<vmem>>, vector<2560x8xf32>
    %get3A_2 = arith.constant 0 : index
    %get3A_3 = arith.constant 0 : index
    %get3A_4 = vector.load %arg3[%get3A_2, %get3A_3] : memref<8x2048xf32, #tpu.memory_space<vmem>>, vector<8x2048xf32>
    %broadcast_in_dim3A = arith.constant 0.000000e+00 : f32
    %broadcast_in_dim3A_5 = vector.broadcast %broadcast_in_dim3A : f32 to vector<2560x2048xf32>
    %slice3A = vector.extract_strided_slice %get3A_1 {offsets = [0, 0], sizes = [2560, 1], strides = [1, 1]} : vector<2560x8xf32> to vector<2560x1xf32>
    %squeeze3A = vector.shape_cast %slice3A : vector<2560x1xf32> to vector<2560xf32>
    %broadcast_in_dim3A_6 = vector.shape_cast %squeeze3A : vector<2560xf32> to vector<2560x1xf32>
    %slice3A_7 = vector.extract_strided_slice %get3A_4 {offsets = [0, 0], sizes = [1, 2048], strides = [1, 1]} : vector<8x2048xf32> to vector<1x2048xf32>
    %squeeze3A_8 = vector.shape_cast %slice3A_7 : vector<1x2048xf32> to vector<2048xf32>
    %broadcast_in_dim3A_9 = vector.shape_cast %squeeze3A_8 : vector<2048xf32> to vector<1x2048xf32>
    %sub3A = vector.broadcast %broadcast_in_dim3A_6 : vector<2560x1xf32> to vector<2560x2048xf32>
    %sub3A_10 = vector.broadcast %broadcast_in_dim3A_9 : vector<1x2048xf32> to vector<2560x2048xf32>
    %sub3A_11 = arith.subf %sub3A, %sub3A_10 : vector<2560x2048xf32>
    %mul3A = arith.mulf %sub3A_11, %sub3A_11 : vector<2560x2048xf32>
    %add3A = arith.addf %broadcast_in_dim3A_5, %mul3A : vector<2560x2048xf32>
    %slice3A_12 = vector.extract_strided_slice %get3A_1 {offsets = [0, 1], sizes = [2560, 1], strides = [1, 1]} : vector<2560x8xf32> to vector<2560x1xf32>
    %squeeze3A_13 = vector.shape_cast %slice3A_12 : vector<2560x1xf32> to vector<2560xf32>
    %broadcast_in_dim3A_14 = vector.shape_cast %squeeze3A_13 : vector<2560xf32> to vector<2560x1xf32>
    %slice3A_15 = vector.extract_strided_slice %get3A_4 {offsets = [1, 0], sizes = [1, 2048], strides = [1, 1]} : vector<8x2048xf32> to vector<1x2048xf32>
    %squeeze3A_16 = vector.shape_cast %slice3A_15 : vector<1x2048xf32> to vector<2048xf32>
    %broadcast_in_dim3A_17 = vector.shape_cast %squeeze3A_16 : vector<2048xf32> to vector<1x2048xf32>
    %sub3A_18 = vector.broadcast %broadcast_in_dim3A_14 : vector<2560x1xf32> to vector<2560x2048xf32>
    %sub3A_19 = vector.broadcast %broadcast_in_dim3A_17 : vector<1x2048xf32> to vector<2560x2048xf32>
    %sub3A_20 = arith.subf %sub3A_18, %sub3A_19 : vector<2560x2048xf32>
    %mul3A_21 = arith.mulf %sub3A_20, %sub3A_20 : vector<2560x2048xf32>
    %add3A_22 = arith.addf %add3A, %mul3A_21 : vector<2560x2048xf32>
    %slice3A_23 = vector.extract_strided_slice %get3A_1 {offsets = [0, 2], sizes = [2560, 1], strides = [1, 1]} : vector<2560x8xf32> to vector<2560x1xf32>
    %squeeze3A_24 = vector.shape_cast %slice3A_23 : vector<2560x1xf32> to vector<2560xf32>
    %broadcast_in_dim3A_25 = vector.shape_cast %squeeze3A_24 : vector<2560xf32> to vector<2560x1xf32>
    %slice3A_26 = vector.extract_strided_slice %get3A_4 {offsets = [2, 0], sizes = [1, 2048], strides = [1, 1]} : vector<8x2048xf32> to vector<1x2048xf32>
    %squeeze3A_27 = vector.shape_cast %slice3A_26 : vector<1x2048xf32> to vector<2048xf32>
    %broadcast_in_dim3A_28 = vector.shape_cast %squeeze3A_27 : vector<2048xf32> to vector<1x2048xf32>
    %sub3A_29 = vector.broadcast %broadcast_in_dim3A_25 : vector<2560x1xf32> to vector<2560x2048xf32>
    %sub3A_30 = vector.broadcast %broadcast_in_dim3A_28 : vector<1x2048xf32> to vector<2560x2048xf32>
    %sub3A_31 = arith.subf %sub3A_29, %sub3A_30 : vector<2560x2048xf32>
    %mul3A_32 = arith.mulf %sub3A_31, %sub3A_31 : vector<2560x2048xf32>
    %add3A_33 = arith.addf %add3A_22, %mul3A_32 : vector<2560x2048xf32>
    %reduce_min3A = arith.constant dense<0x7F800000> : vector<2560xf32>
    %reduce_min3A_34 = vector.multi_reduction <minimumf>, %add3A_33, %reduce_min3A [1] : vector<2560x2048xf32> to vector<2560xf32>
    %broadcast_in_dim3A_35 = vector.shape_cast %reduce_min3A_34 : vector<2560xf32> to vector<2560x1xf32>
    %reduce_min3A_36 = arith.constant dense<0x7F800000> : vector<2048xf32>
    %reduce_min3A_37 = vector.multi_reduction <minimumf>, %add3A_33, %reduce_min3A_36 [0] : vector<2560x2048xf32> to vector<2048xf32>
    %broadcast_in_dim3A_38 = vector.shape_cast %reduce_min3A_37 : vector<2048xf32> to vector<1x2048xf32>
    %eq3A = arith.constant 0 : i32
    %eq3A_39 = arith.cmpi eq, %arg0, %eq3A : i32
    %eq3A_40 = arith.constant 0 : i32
    %eq3A_41 = arith.cmpi eq, %arg1, %eq3A_40 : i32
    %and3A = arith.andi %eq3A_39, %eq3A_41 : i1
    %convert_element_type3A = arith.extui %and3A : i1 to i32
    %cond3A = arith.constant 0 : i32
    %cond3A_42 = arith.cmpi ne, %convert_element_type3A, %cond3A : i32
    scf.if %cond3A_42 {
      %broadcast_in_dim3A_63 = arith.constant 0x7F800000 : f32
      %broadcast_in_dim3A_64 = vector.broadcast %broadcast_in_dim3A_63 : f32 to vector<10240x1xf32>
      %swap3A_65 = arith.constant 0 : index
      %swap3A_66 = arith.constant 0 : index
      %swap3A_67 = vector.load %arg4[%swap3A_65, %swap3A_66] : memref<10240x1xf32, #tpu.memory_space<vmem>>, vector<10240x1xf32>
      tpu.vector_store %arg4[%swap3A_65, %swap3A_66], %broadcast_in_dim3A_64 {strides = array<i32>} : memref<10240x1xf32, #tpu.memory_space<vmem>>, vector<10240x1xf32>,
      %broadcast_in_dim3A_68 = arith.constant 0x7F800000 : f32
      %broadcast_in_dim3A_69 = vector.broadcast %broadcast_in_dim3A_68 : f32 to vector<1x8192xf32>
      %swap3A_70 = arith.constant 0 : index
      %swap3A_71 = arith.constant 0 : index
      %swap3A_72 = vector.load %arg5[%swap3A_70, %swap3A_71] : memref<1x8192xf32, #tpu.memory_space<vmem>>, vector<1x8192xf32>
      tpu.vector_store %arg5[%swap3A_70, %swap3A_71], %broadcast_in_dim3A_69 {strides = array<i32>} : memref<1x8192xf32, #tpu.memory_space<vmem>>, vector<1x8192xf32>,
    } else {
    }
    %mul3A_43 = arith.constant 2560 : i32
    %mul3A_44 = arith.muli %arg0, %mul3A_43 : i32
    %get3A_45 = arith.index_cast %mul3A_44 : i32 to index
    %get3A_46 = arith.constant 0 : index
    %get3A_47 = vector.load %arg4[%get3A_45, %get3A_46] : memref<10240x1xf32, #tpu.memory_space<vmem>>, vector<2560x1xf32>
    %min3A = arith.minimumf %get3A_47, %broadcast_in_dim3A_35 : vector<2560x1xf32>
    %mul3A_48 = arith.constant 2560 : i32
    %mul3A_49 = arith.muli %arg0, %mul3A_48 : i32
    %swap3A = arith.index_cast %mul3A_49 : i32 to index
    %swap3A_50 = arith.constant 0 : index
    %swap3A_51 = vector.load %arg4[%swap3A, %swap3A_50] : memref<10240x1xf32, #tpu.memory_space<vmem>>, vector<2560x1xf32>
    tpu.vector_store %arg4[%swap3A, %swap3A_50], %min3A {strides = array<i32>} : memref<10240x1xf32, #tpu.memory_space<vmem>>, vector<2560x1xf32>,
    %mul3A_52 = arith.constant 2048 : i32
    %mul3A_53 = arith.muli %arg1, %mul3A_52 : i32
    %get3A_54 = arith.constant 0 : index
    %get3A_55 = arith.index_cast %mul3A_53 : i32 to index
    %get3A_56 = vector.load %arg5[%get3A_54, %get3A_55] : memref<1x8192xf32, #tpu.memory_space<vmem>>, vector<1x2048xf32>
    %min3A_57 = arith.minimumf %get3A_56, %broadcast_in_dim3A_38 : vector<1x2048xf32>
    %mul3A_58 = arith.constant 2048 : i32
    %mul3A_59 = arith.muli %arg1, %mul3A_58 : i32
    %swap3A_60 = arith.constant 0 : index
    %swap3A_61 = arith.index_cast %mul3A_59 : i32 to index
    %swap3A_62 = vector.load %arg5[%swap3A_60, %swap3A_61] : memref<1x8192xf32, #tpu.memory_space<vmem>>, vector<1x2048xf32>
    tpu.vector_store %arg5[%swap3A_60, %swap3A_61], %min3A_57 {strides = array<i32>} : memref<1x8192xf32, #tpu.memory_space<vmem>>, vector<1x2048xf32>,
    return
  }
  func.func @transform_0(%arg0: i32, %arg1: i32) -> (i32, i32) {
    %c0_i32 = arith.constant 0 : i32
    %c0_i32_0 = arith.constant 0 : i32
    return %arg0, %c0_i32 : i32, i32
  }
  func.func @transform_1(%arg0: i32, %arg1: i32) -> (i32, i32) {
    %c0_i32 = arith.constant 0 : i32
    %c0_i32_0 = arith.constant 0 : i32
    return %c0_i32, %arg1 : i32, i32
  }
  func.func @transform_2(%arg0: i32, %arg1: i32) -> (i32, i32) {
    %c0_i32 = arith.constant 0 : i32
    %c0_i32_0 = arith.constant 0 : i32
    %c0_i32_1 = arith.constant 0 : i32
    return %c0_i32, %c0_i32_0 : i32, i32
  }
  func.func @transform_3(%arg0: i32, %arg1: i32) -> (i32, i32) {
    %c0_i32 = arith.constant 0 : i32
    %c0_i32_0 = arith.constant 0 : i32
    %c0_i32_1 = arith.constant 0 : i32
    return %c0_i32, %c0_i32_0 : i32, i32
  }
}

module attributes {stable_mosaic.version = 14 : i64} {
  func.func @_combine_kernel(%arg0: memref<10240x1xf32, #tpu.memory_space<vmem>>, %arg1: memref<1x8192xf32, #tpu.memory_space<vmem>>, %arg2: memref<10240x16xf32, #tpu.memory_space<vmem>>, %arg3: memref<32x1808xf32, #tpu.memory_space<vmem>>, %arg4: memref<1x1xf32, #tpu.memory_space<vmem>>) attributes {dimension_semantics = [], scalar_prefetch = 0 : i64, scratch_operands = 0 : i64, tpu.core_type = #tpu.core_type<tc>} {
    %get3A = arith.constant 0 : index
    %get3A_0 = arith.constant 0 : index
    %get3A_1 = vector.load %arg0[%get3A, %get3A_0] : memref<10240x1xf32, #tpu.memory_space<vmem>>, vector<10240x1xf32>
    %get3A_2 = arith.constant 0 : index
    %get3A_3 = arith.constant 0 : index
    %get3A_4 = vector.load %arg2[%get3A_2, %get3A_3] : memref<10240x16xf32, #tpu.memory_space<vmem>>, vector<10240x16xf32>
    %reduce_min3A = arith.constant dense<0x7F800000> : vector<10240xf32>
    %reduce_min3A_5 = vector.multi_reduction <minimumf>, %get3A_4, %reduce_min3A [1] : vector<10240x16xf32> to vector<10240xf32>
    %broadcast_in_dim3A = vector.shape_cast %reduce_min3A_5 : vector<10240xf32> to vector<10240x1xf32>
    %min3A = arith.minimumf %get3A_1, %broadcast_in_dim3A : vector<10240x1xf32>
    %iota3A = tpu.iota {dimensions = array<i32: 0>} : vector<10240x1xi32>
    %lt3A = arith.constant 10000 : i32
    %lt3A_6 = vector.broadcast %lt3A : i32 to vector<10240x1xi32>
    %lt3A_7 = arith.cmpi slt, %iota3A, %lt3A_6 : vector<10240x1xi32>
    %sqrt3A = math.sqrt %min3A : vector<10240x1xf32>
    %jit3A = arith.constant 0.000000e+00 : f32
    %broadcast_in_dim3A_8 = vector.broadcast %jit3A : f32 to vector<10240x1xf32>
    %select_n3A = arith.select %lt3A_7, %sqrt3A, %broadcast_in_dim3A_8 : vector<10240x1xi1>, vector<10240x1xf32>
    %reduce_sum3A = vector.shape_cast %select_n3A : vector<10240x1xf32> to vector<1x10240x1xf32>
    %reduce_sum3A_9 = arith.constant dense<0.000000e+00> : vector<1xf32>
    %reduce_sum3A_10 = vector.multi_reduction <add>, %reduce_sum3A, %reduce_sum3A_9 [1, 2] : vector<1x10240x1xf32> to vector<1xf32>
    %reduce_sum3A_11 = vector.shape_cast %reduce_sum3A_10 : vector<1xf32> to vector<1x1x1xf32>
    %reduce_sum3A_12 = vector.extract %reduce_sum3A_11[0, 0, 0] : f32 from vector<1x1x1xf32>
    %get3A_13 = arith.constant 0 : index
    %get3A_14 = arith.constant 0 : index
    %get3A_15 = vector.load %arg1[%get3A_13, %get3A_14] : memref<1x8192xf32, #tpu.memory_space<vmem>>, vector<1x8192xf32>
    %sqrt3A_16 = math.sqrt %get3A_15 : vector<1x8192xf32>
    %reduce_sum3A_17 = vector.shape_cast %sqrt3A_16 : vector<1x8192xf32> to vector<1x1x8192xf32>
    %reduce_sum3A_18 = arith.constant dense<0.000000e+00> : vector<1xf32>
    %reduce_sum3A_19 = vector.multi_reduction <add>, %reduce_sum3A_17, %reduce_sum3A_18 [1, 2] : vector<1x1x8192xf32> to vector<1xf32>
    %reduce_sum3A_20 = vector.shape_cast %reduce_sum3A_19 : vector<1xf32> to vector<1x1x1xf32>
    %reduce_sum3A_21 = vector.extract %reduce_sum3A_20[0, 0, 0] : f32 from vector<1x1x1xf32>
    %get3A_22 = arith.constant 0 : index
    %get3A_23 = arith.constant 0 : index
    %get3A_24 = vector.load %arg3[%get3A_22, %get3A_23] : memref<32x1808xf32, #tpu.memory_space<vmem>>, vector<32x1808xf32>
    %reduce_min3A_25 = arith.constant dense<0x7F800000> : vector<1808xf32>
    %reduce_min3A_26 = vector.multi_reduction <minimumf>, %get3A_24, %reduce_min3A_25 [0] : vector<32x1808xf32> to vector<1808xf32>
    %broadcast_in_dim3A_27 = vector.shape_cast %reduce_min3A_26 : vector<1808xf32> to vector<1x1808xf32>
    %iota3A_28 = tpu.iota {dimensions = array<i32: 1>} : vector<1x1808xi32>
    %lt3A_29 = arith.constant 1808 : i32
    %lt3A_30 = vector.broadcast %lt3A_29 : i32 to vector<1x1808xi32>
    %lt3A_31 = arith.cmpi slt, %iota3A_28, %lt3A_30 : vector<1x1808xi32>
    %sqrt3A_32 = math.sqrt %broadcast_in_dim3A_27 : vector<1x1808xf32>
    %jit3A_33 = arith.constant 0.000000e+00 : f32
    %broadcast_in_dim3A_34 = vector.broadcast %jit3A_33 : f32 to vector<1x1808xf32>
    %select_n3A_35 = arith.select %lt3A_31, %sqrt3A_32, %broadcast_in_dim3A_34 : vector<1x1808xi1>, vector<1x1808xf32>
    %reduce_sum3A_36 = vector.shape_cast %select_n3A_35 : vector<1x1808xf32> to vector<1x1x1808xf32>
    %reduce_sum3A_37 = arith.constant dense<0.000000e+00> : vector<1xf32>
    %reduce_sum3A_38 = vector.multi_reduction <add>, %reduce_sum3A_36, %reduce_sum3A_37 [1, 2] : vector<1x1x1808xf32> to vector<1xf32>
    %reduce_sum3A_39 = vector.shape_cast %reduce_sum3A_38 : vector<1xf32> to vector<1x1x1xf32>
    %reduce_sum3A_40 = vector.extract %reduce_sum3A_39[0, 0, 0] : f32 from vector<1x1x1xf32>
    %add3A = arith.addf %reduce_sum3A_12, %reduce_sum3A_21 : f32
    %add3A_41 = arith.addf %add3A, %reduce_sum3A_40 : f32
    %broadcast_in_dim3A_42 = vector.broadcast %add3A_41 : f32 to vector<1x1xf32>
    %swap3A = arith.constant 0 : index
    %swap3A_43 = arith.constant 0 : index
    %swap3A_44 = vector.load %arg4[%swap3A, %swap3A_43] : memref<1x1xf32, #tpu.memory_space<vmem>>, vector<1x1xf32>
    tpu.vector_store %arg4[%swap3A, %swap3A_43], %broadcast_in_dim3A_42 {strides = array<i32>} : memref<1x1xf32, #tpu.memory_space<vmem>>, vector<1x1xf32>,
    return
  }
}

</mosaic_0001>

<sc_bundles>
// kernel: kernel.5.cloned.1.call-start
scs
__scs_entry_jumppad:
0x0: {  	(pc) =	sbr.rel $0x88, $3  }
0x1: {  	(tag) =	ssettag $0x0;
	lr =	simm.s32 $0x1  }
0x2: {  	[smem:$0x3F9F] =	sst lr;
	_ =	strace $0xD0000000  }
0x3: {  	_ = 	snop  }
0x4: {  	_ = 	snop  }
0x5: {  	_ = 	snop  }
0x6: {  	_ = 	snop  }
0x7: {  	_ = 	snop  }
__scs_overlays_trampoline_lowered:
0x8: {  	[smem:$0x3FAE] =	sst s0  }
0x9: {  	[smem:$0x3FAF] =	sst s1  }
0xa: {  	[smem:$0x3FB0] =	sst s2  }
0xb: {  	[smem:$0x3FB1] =	sst s3  }
0xc: {  	[smem:$0x3FB2] =	sst s4  }
0xd: {  	[smem:$0x3FB3] =	sst s5  }
0xe: {  	[smem:$0x3FB4] =	sst s6  }
0xf: {  	[smem:$0x3FB5] =	sst s7  }
0x10: {  	[smem:$0x3FB6] =	sst s8  }
0x11: {  	[smem:$0x3FB7] =	sst s9;
	s0 =	simm.s32 @!p0 $0x0  }
0x12: {  	s1 =	sld [smem:$0x3F9D];
	s0 =	simm.s32 @p0 $0x1  }
0x13: {  	[smem:$0x3FB8] =	sst s0;
	s0 =	simm.s32 @!p1 $0x0  }
0x14: {  	s2 =	sld [smem:$0x3F9C];
	s0 =	simm.s32 @p1 $0x1  }
0x15: {  	[smem:$0x3FB9] =	sst s0;
	s0 =	simm.s32 @!p2 $0x0  }
0x16: {  	s3 =	sld [smem:$0x3FDB];
	s0 =	simm.s32 @p2 $0x1  }
0x17: {  	s4 =	simm.s32 $0x1BF5;
	[smem:$0x3FBB] =	sst s0  }
0x18: {  	s0 =	sld [smem:$0x3F9E];
	_ =	swait.ge [sflag:s4], $0x0  }
0x19: {  	s7 =	sld [smem:$0x3F9F]  }
0x1a: {  	s8 =	sadd.s32 $0xFFFFE003, lr  }
0x1b: {  	s9 =	sadd.s32 $0xFFFFFEF7, lr;
	s5 =	simm.s32 $0xFFFFFFFF;
	p2 =	slt.u32 s8, $0xFFFFF086  }
0x1c: {  	p1 =	slt.u32 s9, $0xF7A;
	s5 =	simm.s32 @!p2 $0x0  }
0x1d: {  	s5 =	simm.s32 @p1 $0x1;
	p0 =	seq.s32 s7, s2  }
0x1e: {  	s7 =	smul.u32 @!p0 $0xF7A, s2;
	p2 =	seq.s32 @!p0 s5, $0x0  }
0x1f: {  	s9 =	smul.u32 $0xF7A, s1;
	s8 =	simm.s32 @!p0 $0x1BF5;
	p2 =	por !p2, p0  }
0x20: {  	[sflag:s8] =	ssyncset.s32 @!p0 $0xFFFFF086;
	s6 =	sadd.s32 @!p0 s3, s7;
	s7 =	simm.s32 @!p0 $0x108  }
0x21: {  	s3 =	sadd.s32 s3, s9;
	s6 =	sadd.s32 @!p0 $0x88, s6;
	s7 =	simm.s32 @p2 $0x1082  }
0x22: {  	[simem:s7], [sflag:s8] =	dma.local @!p0 [hbm:s6], $0xF7A  }
0x23: {  	s9 =	sor.u32 $0xD0000000, s2;
	s6 =	simm.s32 $0x108;
	_ =	swait.ge @!p0 [sflag:s8], $0x0  }
0x24: {  	s3 =	sadd.s32 $0x88, s3;
	s6 =	simm.s32 @!p1 $0x1082;
	[sflag:s4] =	ssyncset.s32 $0xFFFFF086  }
0x25: {  	[simem:s6], [sflag:s4] =	dma.local [hbm:s3], $0xF7A  }
0x26: {  	[smem:$0x3F9F] =	sst s1;
	(tag) =	ssettag s2;
	_ =	strace s9  }
0x27: {  	s1 =	sld [smem:$0x3FAF]  }
0x28: {  	s2 =	sld [smem:$0x3FB0]  }
0x29: {  	s4 =	sld [smem:$0x3FB2]  }
0x2a: {  	p0 =	seq.s32 s5, $0x0;
	s5 =	sld [smem:$0x3FB3]  }
0x2b: {  	s6 =	sld [smem:$0x3FB4]  }
0x2c: {  	s7 =	sld [smem:$0x3FB5]  }
0x2d: {  	s3 =	simm.s32 $0x108;
	s8 =	sld [smem:$0x3FB6]  }
0x2e: {  	s3 =	simm.s32 @!p0 $0x1082;
	s9 =	sld [smem:$0x3FB7]  }
0x2f: {  	lr =	sadd.s32 s0, s3;
	s0 =	sld [smem:$0x3FAE]  }
0x30: {  	s3 =	sld [smem:$0x3FB1]  }
0x31: {  	[smem:$0x3FBA] =	sst s10  }
0x32: {  	s10 =	sld [smem:$0x3FB8];
	_ =	sdelay $0x3  }
0x33: {  	p0 =	seq.s32 s10, $0x1;
	s10 =	sld [smem:$0x3FBA];
	_ =	sdelay $0x3  }
0x34: {  	[smem:$0x3FBA] =	sst s10  }
0x35: {  	s10 =	sld [smem:$0x3FB9];
	_ =	sdelay $0x3  }
0x36: {  	p1 =	seq.s32 s10, $0x1;
	s10 =	sld [smem:$0x3FBA];
	_ =	sdelay $0x3  }
0x37: {  	[smem:$0x3FBA] =	sst s10  }
0x38: {  	s10 =	sld [smem:$0x3FBB]  }
0x39: {  	_ = 	snop;
	(pc) =	sbr.ind lr, $3  }
0x3a: {  	_ = 	snop  }
0x3b: {  	_ = 	snop  }
0x3c: {  	p2 =	seq.s32 s10, $0x1;
	s10 =	sld [smem:$0x3FBA]  }
0x3d: {  	_ =	shalt  }
0x3e: {  	_ =	shalt  }
0x3f: {  	_ =	shalt  }
0x40: {  	_ =	shalt  }
0x41: {  	_ =	shalt  }
0x42: {  	_ =	shalt  }
0x43: {  	_ =	shalt  }
0x44: {  	_ =	shalt  }
0x45: {  	_ =	shalt  }
0x46: {  	_ =	shalt  }
0x47: {  	_ =	shalt  }
0x48: {  	_ =	shalt  }
0x49: {  	_ =	shalt  }
0x4a: {  	_ =	shalt  }
0x4b: {  	_ =	shalt  }
0x4c: {  	_ =	shalt  }
0x4d: {  	_ =	shalt  }
0x4e: {  	_ =	shalt  }
0x4f: {  	_ =	shalt  }
0x50: {  	_ =	shalt  }
0x51: {  	_ =	shalt  }
0x52: {  	_ =	shalt  }
0x53: {  	_ =	shalt  }
0x54: {  	_ =	shalt  }
0x55: {  	_ =	shalt  }
0x56: {  	_ =	shalt  }
0x57: {  	_ =	shalt  }
0x58: {  	_ =	shalt  }
0x59: {  	_ =	shalt  }
0x5a: {  	_ =	shalt  }
0x5b: {  	_ =	shalt  }
0x5c: {  	_ =	shalt  }
0x5d: {  	_ =	shalt  }
0x5e: {  	_ =	shalt  }
0x5f: {  	_ =	shalt  }
0x60: {  	_ =	shalt  }
0x61: {  	_ =	shalt  }
0x62: {  	_ =	shalt  }
0x63: {  	_ =	shalt  }
0x64: {  	_ =	shalt  }
0x65: {  	_ =	shalt  }
0x66: {  	_ =	shalt  }
0x67: {  	_ =	shalt  }
0x68: {  	_ =	shalt  }
0x69: {  	_ =	shalt  }
0x6a: {  	_ =	shalt  }
0x6b: {  	_ =	shalt  }
0x6c: {  	_ =	shalt  }
0x6d: {  	_ =	shalt  }
0x6e: {  	_ =	shalt  }
0x6f: {  	_ =	shalt  }
0x70: {  	_ =	shalt  }
0x71: {  	_ =	shalt  }
0x72: {  	_ =	shalt  }
0x73: {  	_ =	shalt  }
0x74: {  	_ =	shalt  }
0x75: {  	_ =	shalt  }
0x76: {  	_ =	shalt  }
0x77: {  	_ =	shalt  }
0x78: {  	_ =	shalt  }
0x79: {  	_ =	shalt  }
0x7a: {  	_ =	shalt  }
0x7b: {  	_ =	shalt  }
0x7c: {  	_ =	shalt  }
0x7d: {  	_ =	shalt  }
0x7e: {  	_ =	shalt  }
0x7f: {  	_ =	shalt  }
0x80: {  	_ =	shalt  }
0x81: {  	_ =	shalt  }
0x82: {  	_ =	shalt  }
0x83: {  	_ =	shalt  }
0x84: {  	_ =	shalt  }
0x85: {  	_ =	shalt  }
0x86: {  	_ =	shalt  }
0x87: {  	_ =	shalt  }
.Lfunc_end0:
.L_simem_size_0:
called_computation_lowered:
.L_overlay_start_0:
0x88: {  	s2 =	sld [smem:$0x3FD9]  }
0x89: {  	s3 =	sld [smem:$0x3FFE];
	_ =	sdelay $0x1  }
0x8a: {  	s1 =	srdreg.scid  }
0x8b: {  	s0 =	sand.u32 $0x1, s1  }
0x8c: {  	s16 =	sshll.u32 s0, $0xA;
	s2 =	sadd.s32 s3, s2  }
0x8d: {  	s2 =	sadd.s32 s2, s16  }
0x8e: {  	[smem:$0x3FC6] =	sst s2  }
0x8f: {  	_ = 	snop  }
0x90: {  	(tm) =	ssettm $0x1  }
0x91: {  	s17 =	sld [smem:$0x3FFB];
	_ =	sdelay $0x3  }
0x92: {  	_ =	strace s17  }
0x93: {  	s2 =	sld [smem:$0x3FFC];
	_ =	sdelay $0x3  }
0x94: {  	_ =	strace s2  }
0x95: {  	s2 =	sld [smem:$0x3FFD];
	_ =	sdelay $0x3  }
0x96: {  	_ =	strace s2  }
0x97: {  	_ =	strace $0x8FFFFFFF  }
0x98: {  	s18 =	sld [smem:$0x3FDB];
	_ =	sdelay $0x1  }
0x99: {  	s19 =	simm.s32 $_scs_section_size  }
0x9a: {  	s4 =	simm.s32 $_size__tile_overlayer_lowered;
	s5 =	simm.s32 $_tile_overlayer_lowered  }
0x9b: {  	s22 =	simm.s32 $0x1BFF;
	s21 =	sshll.u32 s5, $0x1;
	s2 =	sadd.s32 s19, s18  }
0x9c: {  	s6 =	simm.s32 $0x0;
	s20 =	sshll.u32 s4, $0x1;
	s4 =	sadd.s32 s21, s2  }
0x9d: {  	[timem:s6], [sflag:s22] =	dma.local [hbm:s4], s20  }
0x9e: {  	_ =	swait.ge [sflag:s22], s20  }
0x9f: {  	s3 =	ssub.s32 $0x0, s20;
	[sflag:s22] =	ssyncset.done $0x0  }
0xa0: {  	[sflag:s22] =	ssyncadd.s32 s3;
	_ =	sdelay $0x1  }
0xa1: {  	s23 =	simm.s32 $0x1B8B  }
0xa2: {  	_ =	swait.ge [sflag:s23], $0x1  }
0xa3: {  	[sflag:s23] =	ssyncset.done $0x0  }
0xa4: {  	s25 =	simm.s32 $0x1B8E;
	s24 =	sld [smem:$0x3FFE];
	[sflag:s23] =	ssyncadd.s32 $0xFFFFFFFF  }
0xa5: {  	s26 =	simm.s32 $execute0_lowered;
	[smem:$0x3FD2] =	sst s25  }
0xa6: {  	s4 =	sshll.u32 s26, $0x1;
	_ =	strace $0x80000046;
	[dreg:$0x1] =	wrdreg $0xFFFFFFFF  }
0xa7: {  	s28 =	simm.s32 $_size_execute0_lowered;
	s2 =	sadd.s32 s2, s4;
	[dreg:$0x0] =	wrdreg $0x0  }
0xa8: {  	s4 =	sshll.u32 s28, $0x1;
	[dreg:$0x2] =	wrdreg s2  }
0xa9: {  	[dreg:$0x3] =	wrdreg s4  }
0xaa: {  	[dreg:$0x4] =	wrdreg $0xC0  }
0xab: {  	_ =	task [dreg:s6], $0x5FFFF  }
0xac: {  	[dreg:$0x1] =	wrdreg $0xFFFFFFFF  }
0xad: {  	[dreg:$0x0] =	wrdreg $0x60  }
0xae: {  	[dreg:$0x2] =	wrdreg s24  }
0xaf: {  	[dreg:$0x3] =	wrdreg $0x9  }
0xb0: {  	_ =	task.clear_ibuf [dreg:s6], $0x4FFFF;
	_ =	strace $0x90000046  }
0xb1: {  	s29 =	simm.s32 $0x9;
	_ =	strace $0x80000048  }
0xb2: {  	_ =	swait.ge [sflag:s29], $0x1  }
0xb3: {  	[sflag:s29] =	ssyncadd.s32 $0xFFFFFFFF  }
0xb4: {  	_ =	strace $0x90000048  }
0xb5: {  	_ =	sfence  }
0xb6: {  	s30 =	sld [smem:$0x0];
	_ =	sdelay $0x2  }
0xb7: {  	s31 =	sshll.u32 s1, $0xD;
	s1 =	sshrl.u32 s1, $0x2  }
0xb8: {  	s3 =	sand.u32 $0x4000, s31;
	s1 =	sadd.s32 s1, s30  }
0xb9: {  	s0 =	sor.u32 s3, s0;
	s1 =	sshll.u32 s1, $0x11  }
0xba: {  	s0 =	sor.u32 s1, s0  }
0xbb: {  	s0 =	sadd.s32 $0x8F2B, s0  }
0xbc: {  	[sflag:s0] =	ssyncadd.remote.s32 $0x1  }
0xbd: {  	_ =	sfence.sel $0xFFFF  }
0xbe: {  	[dreg:$0x0] =	wrdreg $0xFFFFFFFF;
	(pc) =	sbr.abs _section_cstart, $3  }
0xbf: {  	[dreg:$0x1] =	wrdreg $0xFFFFFFFF  }
0xc0: {  	_ =	task.clear_ibuf [dreg:s6], $0x2FFFF;
	_ =	strace $0x9FFFFFFF  }
0xc1: {  	(tm) =	ssettm $0x7FFFFFFF  }
tec
execute0_lowered:
.L_overlay_start_1:
0x0: {  	(tag) =	ssettag $0x1  }
0x1: {  	s6 =	rddreg [dreg:$0x0]  }
0x2: {  	s0 =	rddreg [dreg:$0x1]  }
0x3: {  	s2 =	simm.s32 $0x0;
	s3 =	srdreg.scid;
	s1 =	stileid.u32  }
0x4: {  	s11 =	simm.s32 $0xA000;
	s12 =	simm.s32 $0xA780;
	s13 =	simm.s32 $0xAF00  }
0x5: {  	s14 =	simm.s32 $0xBE00;
	s15 =	simm.s32 $0x80;
	s16 =	simm.s32 $0x400  }
0x6: {  	s17 =	simm.s32 $0xB680;
	s18 =	simm.s32 $0x0;
	[smem:$0x7FF] =	sst s2  }
0x7: {  	s7 =	sand.u32 $0x1, s3;
	s29 =	sshll.u32 s1, $0x1;
	s4 =	sshrl.u32 s1, $0x2  }
0x8: {  	s3 =	sadd.s32 $0x28800, s6;
	_ =	strace $0x80000047;
	s5 =	sor.u32 s7, s29  }
0x9: {  	s8 =	smul.u32 $0x3C00, s4;
	s4 =	sadd.s32 $0x28600, s6;
	s9 =	sshll.u32 s5, $0x7  }
0xa: {  	s7 =	ssub.s32 $0x2, s7;
	s10 =	smul.u32 $0x1400, s5;
	s9 =	sand.u32 $0x380, s9  }
0xb: {  	s5 =	sadd.s32 $0x28400, s6;
	s31 =	sshrl.u32 s7, $0x1;
	s8 =	sor.u32 s8, s9  }
0xc: {  	s30 =	sadd.s32 s10, s6;
	s10 =	ssub.s32 s7, s31;
	s8 =	sshrl.u32 s8, $0x3  }
0xd: {  	s7 =	sadd.s32 $0x28A00, s30;
	s9 =	smax.u32 s10, $0x1;
	s8 =	sadd.s32 s8, s6  }
0xe: {  	v0 =	vimm.f32 $+Inf;
	s10 =	simm.s32 $0x1;
	s6 =	sadd.s32 $0x400, s30;
	s8 =	sadd.s32 $0x50A00, s8  }
.LBB2_1:
0xf: {  	[tilespmem:s2], [sflag:$0x1] =	stream.linear.gather [hbm4b:s6+s2], $0xA000, $0x38;
	[tilespmem:$0x15E00] =	vst v63  }
0x10: {  	_ =	swait.ge [sflag:s10], $0xA000  }
0x11: {  	[sflag:s10] =	ssyncset.done $0x0  }
0x12: {  	[sflag:s10] =	ssyncadd.s32 $0xFFFF6000  }
0x13: {  	[tilespmem:s11], [sflag:$0x1] =	stream.linear.gather [hbm4b:s3+s2], $0x780, $0x38;
	[tilespmem:$0x15E00] =	vst v63  }
0x14: {  	_ =	swait.ge [sflag:s10], $0x780  }
0x15: {  	[sflag:s10] =	ssyncset.done $0x0  }
0x16: {  	[sflag:s10] =	ssyncadd.s32 $0xFFFFF880  }
0x17: {  	[tilespmem:s12], [sflag:$0x1] =	stream.linear.gather [hbm4b:s4+s2], $0x780, $0x38;
	[tilespmem:$0x15E00] =	vst v63  }
0x18: {  	_ =	swait.ge [sflag:s10], $0x780  }
0x19: {  	[sflag:s10] =	ssyncset.done $0x0  }
0x1a: {  	[sflag:s10] =	ssyncadd.s32 $0xFFFFF880  }
0x1b: {  	[tilespmem:s13], [sflag:$0x1] =	stream.linear.gather [hbm4b:s5+s2], $0x780, $0x38;
	[tilespmem:$0x15E00] =	vst v63  }
0x1c: {  	_ =	swait.ge [sflag:s10], $0x780  }
0x1d: {  	[sflag:s10] =	ssyncset.done $0x0  }
0x1e: {  	s19 =	simm.s32 $0x40;
	s20 =	simm.s32 $0x0;
	[sflag:s10] =	ssyncadd.s32 $0xFFFFF880  }
.LBB2_2:
0x1f: {  	p0 =	sne.s32 s19, $0x1C00;
	[tilespmem:s20+$0xB680] =	vst v0;
	s20 =	smov.u32 s19;
	s19 =	sadd.s32 $0x40, s19  }
.Ltmp0:
0x20: {  	(pc) =	sbr.rel @p0 .LBB2_2-.Ltmp0, $2  }
0x21: {  	_ =	sdelay $0x2  }
0x22: {  	s20 =	sshra.s32 s20, $0x2  }
0x23: {  	[tilespmem:s20+$0xB680] =	vst v0;
	s19 =	simm.s32 $0x0  }
.LBB2_4:
0x24: {  	s20 =	sshll.u32 s19, $0x7  }
0x25: {  	v1 =	vld [tilespmem:s20+$0x0]  }
0x26: {  	s22 =	simm.s32 $0x0;
	v2 =	vld [tilespmem:s20+$0x10]  }
0x27: {  	v4 =	vld [tilespmem:s22+$0xA000]  }
0x28: {  	v5 =	vld [tilespmem:s22+$0xA780]  }
0x29: {  	v3 =	vld [tilespmem:s20+$0x20]  }
0x2a: {  	v6 =	vld [tilespmem:s22+$0xAF00];
	_ =	sdelay $0x2  }
0x2b: {  	s21 =	simm.s32 $0x10;
	v4 =	vsub.f32 v1, v4;
	v5 =	vsub.f32 v2, v5  }
0x2c: {  	v7 =	vld [tilespmem:s21+$0xA000]  }
0x2d: {  	v8 =	vld [tilespmem:s21+$0xA780];
	v6 =	vsub.f32 v3, v6;
	v4 =	vmul.f32 v4, v4;
	v5 =	vmul.f32 v5, v5  }
0x2e: {  	v9 =	vld [tilespmem:s22+$0xB680]  }
0x2f: {  	v4 =	vadd.f32 v5, v4;
	v5 =	vmul.f32 v6, v6;
	v6 =	vld [tilespmem:s21+$0xAF00];
	_ =	sdelay $0x1  }
0x30: {  	v4 =	vadd.f32 v5, v4  }
0x31: {  	v10 =	vimm.f32 $+Inf;
	s23 =	simm.s32 $0x20;
	v7 =	vsub.f32 v1, v7;
	v8 =	vsub.f32 v2, v8  }
0x32: {  	s24 =	simm.s32 $0xC0;
	v5 =	vld [tilespmem:s23+$0xA000];
	v9 =	vmin.f32 v9, v4;
	v4 =	vmin.f32 v10, v4  }
.LBB2_5:
0x33: {  	p0 =	sne.s32 s24, $0x1C00;
	v10 =	vld [tilespmem:s23+$0xA780];
	v11 =	vsub.f32 v3, v6;
	v7 =	vmul.f32 v7, v7;
	v8 =	vmul.f32 v8, v8;
	[tilespmem:s22+$0xB680] =	vst v9;
	s22 =	smov.u32 s21;
	s21 =	smov.u32 s23  }
0x34: {  	v9 =	vld [tilespmem:s22+$0xB680]  }
.Ltmp1:
0x35: {  	v6 =	vld [tilespmem:s21+$0xAF00];
	v7 =	vadd.f32 v8, v7;
	v8 =	vmul.f32 v11, v11;
	(pc) =	sbr.rel @p0 .LBB2_5-.Ltmp1, $4  }
0x36: {  	_ = 	snop  }
0x37: {  	v11 =	vadd.f32 v8, v7  }
0x38: {  	s23 =	sshra.s32 s24, $0x2;
	v7 =	vsub.f32 v1, v5;
	v8 =	vsub.f32 v2, v10  }
0x39: {  	s24 =	sadd.s32 $0x40, s24;
	v5 =	vld [tilespmem:s23+$0xA000];
	v9 =	vmin.f32 v9, v11;
	v4 =	vmin.f32 v4, v11  }
0x3a: {  	v10 =	vld [tilespmem:s23+$0xA780];
	v6 =	vsub.f32 v3, v6;
	v7 =	vmul.f32 v7, v7;
	v8 =	vmul.f32 v8, v8;
	[tilespmem:s22+$0xB680] =	vst v9  }
0x3b: {  	v9 =	vld [tilespmem:s21+$0xB680]  }
0x3c: {  	v11 =	vld [tilespmem:s23+$0xAF00];
	v7 =	vadd.f32 v8, v7;
	v6 =	vmul.f32 v6, v6;
	_ =	sdelay $0x1  }
0x3d: {  	v6 =	vadd.f32 v6, v7  }
0x3e: {  	v1 =	vsub.f32 v1, v5;
	v2 =	vsub.f32 v2, v10  }
0x3f: {  	v63 =	vmin.f32 v9, v6  }
0x40: {  	v3 =	vsub.f32 v3, v11;
	v1 =	vmul.f32 v1, v1;
	v2 =	vmul.f32 v2, v2;
	[tilespmem:s21+$0xB680] =	vst v63  }
0x41: {  	v5 =	vld [tilespmem:s23+$0xB680]  }
0x42: {  	s19 =	sadd.s32 $0x1, s19;
	v1 =	vadd.f32 v2, v1;
	v2 =	vmul.f32 v3, v3  }
0x43: {  	p0 =	sne.s32 s19, $0x140  }
.Ltmp2:
0x44: {  	v1 =	vadd.f32 v2, v1;
	(pc) =	sbr.rel @p0 .LBB2_4-.Ltmp2, $4  }
0x45: {  	_ = 	snop  }
0x46: {  	v2 =	vmin.f32 v4, v6;
	v3 =	vmin.f32 v5, v1  }
0x47: {  	v1 =	vmin.f32 v2, v1;
	[tilespmem:s23+$0xB680] =	vst v3  }
0x48: {  	[tilespmem:s20+$0xBE00] =	vst v1  }
0x49: {  	[hbm4b:s7+s2] =	stream.linear.scatter [tilespmem:s14], [sflag:$0x1], $0xA000, $0x38;
	[tilespmem:$0x15E00] =	vst v63  }
0x4a: {  	s18 =	sadd.s32 $0x1, s18;
	_ =	swait.ge [sflag:s10], $0xA000  }
0x4b: {  	p0 =	sne.s32 s18, s9;
	[sflag:s10] =	ssyncset.done $0x0  }
.Ltmp3:
0x4c: {  	[sflag:s10] =	ssyncadd.s32 $0xFFFF6000;
	(pc) =	sbr.rel @p0 .LBB2_1-.Ltmp3, $4  }
0x4d: {  	[hbm4b:s8+s15] =	stream.strided.scatter [tilespmem:s17], [sflag:$0x1], $0x780, s16, s15, $0x38;
	[tilespmem:$0x15E00] =	vst v63  }
0x4e: {  	_ =	swait.ge [sflag:s10], $0x780  }
0x4f: {  	[sflag:s10] =	ssyncset.done $0x0  }
0x50: {  	[sflag:s10] =	ssyncadd.s32 $0xFFFFF880  }
0x51: {  	_ =	sfence.sel $0x180000  }
0x52: {  	[bflag:$0x0] =	sbarrier.arrive $0xFFFF  }
0x53: {  	p0 =	sne.s32 s1, $0x0;
	_ =	strace $0x90000047  }
0x54: {  	s0 =	sadd.s32 @!p0 $0x100000, s0;
	[bflag:$0x2] =	sbarrier.arrive $0xFFFF  }
0x55: {  	[sflag:s0] =	ssyncadd.tile.s32 @!p0 $0x1;
	_ =	shalt  }
.Lfunc_end2:
_tile_overlayer_lowered:
.L_overlay_start_2:
0x56: {  	(tag) =	ssettag $0x2  }
0x57: {  	s0 =	rddreg [dreg:$0x0];
	s2 =	stileid.u32  }
0x58: {  	s1 =	rddreg [dreg:$0x1];
	p0 =	sne.s32 s2, $0x0  }
0x59: {  	s3 =	rddreg [dreg:$0x2];
	[bflag:$0x3] =	sbarrier.arrive $0xFFFF;
	s2 =	simm.s32 @!p0 $0x1C01  }
0x5a: {  	[timem:s3], [sflag:s2] =	dma.local @!p0 [hbm:s0], s1  }
0x5b: {  	s0 =	simm.s32 @!p0 $0x1  }
0x5c: {  	_ =	swait.ge @!p0 [sflag:s0], s1  }
0x5d: {  	s1 =	ssub.s32 @!p0 $0x0, s1;
	[sflag:s0] =	ssyncset.done @!p0 $0x0  }
0x5e: {  	[sflag:s0] =	ssyncadd.s32 @!p0 s1  }
0x5f: {  	[bflag:$0x3] =	sbarrier.arrive $0xFFFF  }
0x60: {  	_ =	shalt  }

</sc_bundles>
